<compile_context>
chip_gen: v7x
topology: tpu7x:2x2x1
jax: 0.10.2.dev20260603
libtpu: 0.0.44.dev20260713+nightly
codegen_flags: <defaults>
</compile_context>

<pallas_src>
import functools

import jax
import jax.numpy as jnp
from jax import lax
from jax.experimental import pallas as pl
from jax.experimental.pallas import tpu as pltpu
from jax.experimental.pallas import tpu_sc as plsc


@functools.lru_cache(maxsize=None)
def _build_gather(n_rows, d, nc, ns):
    nw = nc * ns
    assert n_rows % nw == 0
    b_per_w = n_rows // nw
    chunk = 80
    nbuf = 2
    assert b_per_w % (chunk * nbuf) == 0
    n_chunks = b_per_w // chunk

    mesh = plsc.VectorSubcoreMesh(core_axis_name="c", subcore_axis_name="s",
                                  num_cores=nc, num_subcores=ns)

    @functools.partial(
        pl.kernel,
        out_type=jax.ShapeDtypeStruct((n_rows, d), jnp.float32),
        mesh=mesh,
        scratch_types=[
            pltpu.VMEM((n_chunks, chunk), jnp.int32),
        ] + [pltpu.VMEM((chunk, d), jnp.float32) for _ in range(nbuf)]
          + [pltpu.SemaphoreType.DMA for _ in range(2 * nbuf)],
    )
    def gather_kernel(idx_hbm, table_hbm, out_hbm, idx_v, *bufs):
        rows = bufs[:nbuf]
        gsem = bufs[nbuf:2 * nbuf]
        ssem = bufs[2 * nbuf:]
        wid = lax.axis_index("s") * nc + lax.axis_index("c")
        base = wid * b_per_w
        pltpu.sync_copy(idx_hbm.at[wid], idx_v)

        def gather_desc(ci, b):
            return pltpu.make_async_copy(table_hbm.at[idx_v.at[ci]],
                                         rows[b], gsem[b])

        def scatter_desc(ci, b):
            return pltpu.make_async_copy(
                rows[b], out_hbm.at[pl.ds(base + ci * chunk, chunk)], ssem[b])

        gather_desc(0, 0).start()

        def outer(i, carry):
            c0 = i * nbuf
            for b in range(nbuf):
                c = c0 + b
                gather_desc(c, b).wait()

                @pl.when(c + 1 < n_chunks)
                def _():
                    gather_desc(c + 1, 1 - b).start()

                scatter_desc(c, b).start()
                scatter_desc(c, b).wait()
            return carry

        lax.fori_loop(0, n_chunks // nbuf, outer, 0)

    def run(ids_flat, table):
        idx3 = ids_flat.reshape(nw, n_chunks, chunk)
        return gather_kernel(idx3, table)

    return run


def kernel(input_ids, embed_weight, plus_mask, minus_mask):
    b, l = input_ids.shape
    ids_flat = input_ids.reshape(b * l).astype(jnp.int32)
    info = plsc.get_sparse_core_info()
    run = _build_gather(b * l, embed_weight.shape[1],
                        info.num_cores, info.num_subcores)
    out = run(ids_flat, embed_weight)
    return out.reshape(b, l, embed_weight.shape[1])

# --- scband reference (transcript-rebuilt; emitter-appended) ---
"""Pipeline reference for scband-t5-client-model-71734543777892 (READ-ONLY COPY).

The authoritative reference and input builder live on the scoring server;
editing this copy changes nothing except your own understanding.
"""

import jax, jax.numpy as jnp
import numpy as np

VOCAB = 32128
D_MODEL = 512
BATCH = 1024
SEQ = 200
N_PLUS = 128
N_MINUS = 128

def _make_masks(d, n_plus, n_minus, seed=0):
    rng = np.random.RandomState(seed)
    idx = rng.permutation(d)[: n_plus + n_minus]
    plus = np.zeros(d, dtype=np.float32)
    minus = np.zeros(d, dtype=np.float32)
    plus[idx[:n_plus]] = 1.0
    minus[idx[n_plus:]] = 1.0
    return jnp.asarray(plus), jnp.asarray(minus)

def setup_inputs(seed: int = 0) -> dict:
    key = jax.random.key(seed)
    k1, k2 = jax.random.split(key)
    input_ids = jax.random.randint(k1, (BATCH, SEQ), 0, VOCAB, dtype=jnp.int64 if jax.config.jax_enable_x64 else jnp.int32)
    # xavier_uniform for Embedding weight [VOCAB, D_MODEL]
    bound = float(np.sqrt(6.0 / (VOCAB + D_MODEL)))
    embed_weight = jax.random.uniform(k2, (VOCAB, D_MODEL), minval=-bound, maxval=bound, dtype=jnp.float32)
    plus_mask, minus_mask = _make_masks(D_MODEL, N_PLUS, N_MINUS, seed=0)
    return {"input_ids": input_ids, "embed_weight": embed_weight, "plus_mask": plus_mask, "minus_mask": minus_mask}

def reference(input_ids, embed_weight, plus_mask, minus_mask):
    # embedding lookup (SparseCore gather)
    h = jnp.take(embed_weight, input_ids, axis=0)  # [B, L, D]
    pm = plus_mask.reshape(1, 1, -1)
    mm = minus_mask.reshape(1, 1, -1)
    h = h * pm + h * mm + h * (1.0 - pm - mm)
    return h

if __name__ == "__main__":
    import jax
    _d = setup_inputs()
    print(jax.jit(kernel)(*tuple(_d.values())))

</pallas_src>

<mosaic_0001>
#map = affine_map<(d0, d1) -> (0, 0, 0)>
#map1 = affine_map<(d0, d1) -> (0, 0)>
module attributes {stable_mosaic.version = 14 : i64} {
  func.func @gather_kernel(%arg0: i32, %arg1: i32, %arg2: memref<32x80x80xi32, #tpu.memory_space<hbm>>, %arg3: memref<32128x512xf32, #tpu.memory_space<hbm>>, %arg4: memref<204800x512xf32, #tpu.memory_space<hbm>>, %arg5: memref<80x80xi32, #tpu.memory_space<vmem>>, %arg6: memref<80x512xf32, #tpu.memory_space<vmem>>, %arg7: memref<80x512xf32, #tpu.memory_space<vmem>>, %arg8: memref<!tpu.dma_semaphore, #tpu.memory_space<semaphore_mem>>, %arg9: memref<!tpu.dma_semaphore, #tpu.memory_space<semaphore_mem>>, %arg10: memref<!tpu.dma_semaphore, #tpu.memory_space<semaphore_mem>>, %arg11: memref<!tpu.dma_semaphore, #tpu.memory_space<semaphore_mem>>) attributes {dimension_semantics = [#tpu.dimension_semantics<core_parallel>, #tpu.dimension_semantics<subcore_parallel>], iteration_bounds = array<i64: 2, 16>, scalar_prefetch = 0 : i64, scratch_operands = 7 : i64, tpu.core_type = #tpu.core_type<sc_vector_subcore>, window_params = [{transform_indices = #map}, {transform_indices = #map1}, {transform_indices = #map1}]} {
    %mul3A = arith.constant 2 : i32
    %mul3A_0 = arith.muli %arg1, %mul3A : i32
    %add3A = arith.addi %mul3A_0, %arg0 : i32
    %mul3A_1 = arith.constant 6400 : i32
    %mul3A_2 = arith.muli %add3A, %mul3A_1 : i32
    "tpu.region"() ({
      %run_scoped3A = tpu.sem_alloc : memref<!tpu.dma_semaphore, #tpu.memory_space<semaphore_mem>>
      %dma_start3A_14 = arith.constant 0 : i32
      %dma_start3A_15 = arith.constant 0 : i32
      %dma_start3A_16 = tpu.memref_slice %arg2[%add3A, %dma_start3A_14, %dma_start3A_15] : memref<32x80x80xi32, #tpu.memory_space<hbm>> -> memref<1x80x80xi32, #tpu.memory_space<hbm>>
      %dma_start3A_17 = tpu.memref_squeeze %dma_start3A_16 : memref<1x80x80xi32, #tpu.memory_space<hbm>> -> memref<80x80xi32, #tpu.memory_space<hbm>>
      %dma_start3A_18 = arith.constant 0 : i32
      %dma_start3A_19 = arith.constant 0 : i32
      %dma_start3A_20 = tpu.memref_slice %arg2[%add3A, %dma_start3A_18, %dma_start3A_19] : memref<32x80x80xi32, #tpu.memory_space<hbm>> -> memref<1x80x80xi32, #tpu.memory_space<hbm>>
      %dma_start3A_21 = tpu.memref_squeeze %dma_start3A_20 : memref<1x80x80xi32, #tpu.memory_space<hbm>> -> memref<80x80xi32, #tpu.memory_space<hbm>>
      tpu.enqueue_dma source(%dma_start3A_21 : memref<80x80xi32, #tpu.memory_space<hbm>>) target(%arg5 : memref<80x80xi32, #tpu.memory_space<vmem>>) target_semaphore(%run_scoped3A : memref<!tpu.dma_semaphore, #tpu.memory_space<semaphore_mem>>)
      %dma_wait3A = arith.constant 0 : i32
      %dma_wait3A_22 = arith.constant 0 : i32
      %dma_wait3A_23 = tpu.memref_slice %arg2[%add3A, %dma_wait3A, %dma_wait3A_22] : memref<32x80x80xi32, #tpu.memory_space<hbm>> -> memref<1x80x80xi32, #tpu.memory_space<hbm>>
      %dma_wait3A_24 = tpu.memref_squeeze %dma_wait3A_23 : memref<1x80x80xi32, #tpu.memory_space<hbm>> -> memref<80x80xi32, #tpu.memory_space<hbm>>
      %dma_wait3A_25 = arith.constant 0 : i32
      %dma_wait3A_26 = arith.constant 0 : i32
      %dma_wait3A_27 = tpu.memref_slice %arg2[%add3A, %dma_wait3A_25, %dma_wait3A_26] : memref<32x80x80xi32, #tpu.memory_space<hbm>> -> memref<1x80x80xi32, #tpu.memory_space<hbm>>
      %dma_wait3A_28 = tpu.memref_squeeze %dma_wait3A_27 : memref<1x80x80xi32, #tpu.memory_space<hbm>> -> memref<80x80xi32, #tpu.memory_space<hbm>>
      tpu.wait_dma2 semaphore(%run_scoped3A : memref<!tpu.dma_semaphore, #tpu.memory_space<semaphore_mem>>) src(%dma_wait3A_28 : memref<80x80xi32, #tpu.memory_space<hbm>>) dst(%arg5 : memref<80x80xi32, #tpu.memory_space<vmem>>)
      tpu.yield
    }) : () -> ()
    %dma_start3A = arith.constant 0 : i32
    %dma_start3A_3 = arith.constant 0 : i32
    %dma_start3A_4 = tpu.memref_slice %arg5[%dma_start3A, %dma_start3A_3] : memref<80x80xi32, #tpu.memory_space<vmem>> -> memref<1x80xi32, #tpu.memory_space<vmem>>
    %dma_start3A_5 = tpu.memref_squeeze %dma_start3A_4 : memref<1x80xi32, #tpu.memory_space<vmem>> -> memref<80xi32, #tpu.memory_space<vmem>>
    %dma_start3A_6 = arith.constant 0 : i32
    %dma_start3A_7 = arith.constant 0 : i32
    %dma_start3A_8 = tpu.memref_slice %arg3[%dma_start3A_6, %dma_start3A_7] : memref<32128x512xf32, #tpu.memory_space<hbm>> -> memref<32128x512xf32, #tpu.memory_space<hbm>>
    tpu.enqueue_indirect_dma source(%dma_start3A_8 : memref<32128x512xf32, #tpu.memory_space<hbm>>) target(%arg6 : memref<80x512xf32, #tpu.memory_space<vmem>>) offsets(%dma_start3A_5 : memref<80xi32, #tpu.memory_space<vmem>>) semaphore(%arg8 : memref<!tpu.dma_semaphore, #tpu.memory_space<semaphore_mem>>)
    %scan3A = arith.constant 0 : i32
    %scan3A_9 = arith.constant 0 : i32
    %scan3A_10 = arith.constant 40 : i32
    %scan3A_11 = arith.addi %scan3A_9, %scan3A_10 : i32
    %scan3A_12 = arith.constant 1 : i32
    scf.for %scan3A_14 = %scan3A_9 to %scan3A_11 step %scan3A_12  : i32 {
      %mul3A_15 = arith.constant 2 : i32
      %mul3A_16 = arith.muli %scan3A_14, %mul3A_15 : i32
      %add3A_17 = arith.constant 0 : i32
      %add3A_18 = arith.addi %mul3A_16, %add3A_17 : i32
      %dma_wait3A = arith.constant 0 : i32
      %dma_wait3A_19 = tpu.memref_slice %arg5[%add3A_18, %dma_wait3A] : memref<80x80xi32, #tpu.memory_space<vmem>> -> memref<1x80xi32, #tpu.memory_space<vmem>>
      %dma_wait3A_20 = tpu.memref_squeeze %dma_wait3A_19 : memref<1x80xi32, #tpu.memory_space<vmem>> -> memref<80xi32, #tpu.memory_space<vmem>>
      %dma_wait3A_21 = arith.constant 0 : i32
      %dma_wait3A_22 = arith.constant 0 : i32
      %dma_wait3A_23 = tpu.memref_slice %arg3[%dma_wait3A_21, %dma_wait3A_22] : memref<32128x512xf32, #tpu.memory_space<hbm>> -> memref<32128x512xf32, #tpu.memory_space<hbm>>
      tpu.wait_indirect_dma semaphore(%arg8 : memref<!tpu.dma_semaphore, #tpu.memory_space<semaphore_mem>>) src(%dma_wait3A_23 : memref<32128x512xf32, #tpu.memory_space<hbm>>) dst(%arg6 : memref<80x512xf32, #tpu.memory_space<vmem>>)
      %add3A_24 = arith.constant 1 : i32
      %add3A_25 = arith.addi %add3A_18, %add3A_24 : i32
      %lt3A = arith.constant 80 : i32
      %lt3A_26 = arith.cmpi slt, %add3A_25, %lt3A : i32
      %convert_element_type3A = arith.extui %lt3A_26 : i1 to i32
      %cond3A = arith.constant 0 : i32
      %cond3A_27 = arith.cmpi ne, %convert_element_type3A, %cond3A : i32
      scf.if %cond3A_27 {
        %add3A_71 = arith.constant 1 : i32
        %add3A_72 = arith.addi %add3A_18, %add3A_71 : i32
        %dma_start3A_73 = arith.constant 0 : i32
        %dma_start3A_74 = tpu.memref_slice %arg5[%add3A_72, %dma_start3A_73] : memref<80x80xi32, #tpu.memory_space<vmem>> -> memref<1x80xi32, #tpu.memory_space<vmem>>
        %dma_start3A_75 = tpu.memref_squeeze %dma_start3A_74 : memref<1x80xi32, #tpu.memory_space<vmem>> -> memref<80xi32, #tpu.memory_space<vmem>>
        %dma_start3A_76 = arith.constant 0 : i32
        %dma_start3A_77 = arith.constant 0 : i32
        %dma_start3A_78 = tpu.memref_slice %arg3[%dma_start3A_76, %dma_start3A_77] : memref<32128x512xf32, #tpu.memory_space<hbm>> -> memref<32128x512xf32, #tpu.memory_space<hbm>>
        tpu.enqueue_indirect_dma source(%dma_start3A_78 : memref<32128x512xf32, #tpu.memory_space<hbm>>) target(%arg7 : memref<80x512xf32, #tpu.memory_space<vmem>>) offsets(%dma_start3A_75 : memref<80xi32, #tpu.memory_space<vmem>>) semaphore(%arg9 : memref<!tpu.dma_semaphore, #tpu.memory_space<semaphore_mem>>)
      } else {
      }
      %mul3A_28 = arith.constant 80 : i32
      %mul3A_29 = arith.muli %add3A_18, %mul3A_28 : i32
      %add3A_30 = arith.addi %mul3A_2, %mul3A_29 : i32
      %dma_start3A_31 = arith.constant 0 : i32
      %dma_start3A_32 = tpu.memref_slice %arg4[%add3A_30, %dma_start3A_31] : memref<204800x512xf32, #tpu.memory_space<hbm>> -> memref<80x512xf32, #tpu.memory_space<hbm>>
      %dma_start3A_33 = arith.constant 0 : i32
      %dma_start3A_34 = tpu.memref_slice %arg4[%add3A_30, %dma_start3A_33] : memref<204800x512xf32, #tpu.memory_space<hbm>> -> memref<80x512xf32, #tpu.memory_space<hbm>>
      tpu.enqueue_dma source(%arg6 : memref<80x512xf32, #tpu.memory_space<vmem>>) target(%dma_start3A_34 : memref<80x512xf32, #tpu.memory_space<hbm>>) target_semaphore(%arg10 : memref<!tpu.dma_semaphore, #tpu.memory_space<semaphore_mem>>)
      %mul3A_35 = arith.constant 80 : i32
      %mul3A_36 = arith.muli %add3A_18, %mul3A_35 : i32
      %add3A_37 = arith.addi %mul3A_2, %mul3A_36 : i32
      %dma_wait3A_38 = arith.constant 0 : i32
      %dma_wait3A_39 = tpu.memref_slice %arg4[%add3A_37, %dma_wait3A_38] : memref<204800x512xf32, #tpu.memory_space<hbm>> -> memref<80x512xf32, #tpu.memory_space<hbm>>
      %dma_wait3A_40 = arith.constant 0 : i32
      %dma_wait3A_41 = tpu.memref_slice %arg4[%add3A_37, %dma_wait3A_40] : memref<204800x512xf32, #tpu.memory_space<hbm>> -> memref<80x512xf32, #tpu.memory_space<hbm>>
      tpu.wait_dma2 semaphore(%arg10 : memref<!tpu.dma_semaphore, #tpu.memory_space<semaphore_mem>>) src(%arg6 : memref<80x512xf32, #tpu.memory_space<vmem>>) dst(%dma_wait3A_41 : memref<80x512xf32, #tpu.memory_space<hbm>>)
      %add3A_42 = arith.constant 1 : i32
      %add3A_43 = arith.addi %mul3A_16, %add3A_42 : i32
      %dma_wait3A_44 = arith.constant 0 : i32
      %dma_wait3A_45 = tpu.memref_slice %arg5[%add3A_43, %dma_wait3A_44] : memref<80x80xi32, #tpu.memory_space<vmem>> -> memref<1x80xi32, #tpu.memory_space<vmem>>
      %dma_wait3A_46 = tpu.memref_squeeze %dma_wait3A_45 : memref<1x80xi32, #tpu.memory_space<vmem>> -> memref<80xi32, #tpu.memory_space<vmem>>
      %dma_wait3A_47 = arith.constant 0 : i32
      %dma_wait3A_48 = arith.constant 0 : i32
      %dma_wait3A_49 = tpu.memref_slice %arg3[%dma_wait3A_47, %dma_wait3A_48] : memref<32128x512xf32, #tpu.memory_space<hbm>> -> memref<32128x512xf32, #tpu.memory_space<hbm>>
      tpu.wait_indirect_dma semaphore(%arg9 : memref<!tpu.dma_semaphore, #tpu.memory_space<semaphore_mem>>) src(%dma_wait3A_49 : memref<32128x512xf32, #tpu.memory_space<hbm>>) dst(%arg7 : memref<80x512xf32, #tpu.memory_space<vmem>>)
      %add3A_50 = arith.constant 1 : i32
      %add3A_51 = arith.addi %add3A_43, %add3A_50 : i32
      %lt3A_52 = arith.constant 80 : i32
      %lt3A_53 = arith.cmpi slt, %add3A_51, %lt3A_52 : i32
      %convert_element_type3A_54 = arith.extui %lt3A_53 : i1 to i32
      %cond3A_55 = arith.constant 0 : i32
      %cond3A_56 = arith.cmpi ne, %convert_element_type3A_54, %cond3A_55 : i32
      scf.if %cond3A_56 {
        %add3A_71 = arith.constant 1 : i32
        %add3A_72 = arith.addi %add3A_43, %add3A_71 : i32
        %dma_start3A_73 = arith.constant 0 : i32
        %dma_start3A_74 = tpu.memref_slice %arg5[%add3A_72, %dma_start3A_73] : memref<80x80xi32, #tpu.memory_space<vmem>> -> memref<1x80xi32, #tpu.memory_space<vmem>>
        %dma_start3A_75 = tpu.memref_squeeze %dma_start3A_74 : memref<1x80xi32, #tpu.memory_space<vmem>> -> memref<80xi32, #tpu.memory_space<vmem>>
        %dma_start3A_76 = arith.constant 0 : i32
        %dma_start3A_77 = arith.constant 0 : i32
        %dma_start3A_78 = tpu.memref_slice %arg3[%dma_start3A_76, %dma_start3A_77] : memref<32128x512xf32, #tpu.memory_space<hbm>> -> memref<32128x512xf32, #tpu.memory_space<hbm>>
        tpu.enqueue_indirect_dma source(%dma_start3A_78 : memref<32128x512xf32, #tpu.memory_space<hbm>>) target(%arg6 : memref<80x512xf32, #tpu.memory_space<vmem>>) offsets(%dma_start3A_75 : memref<80xi32, #tpu.memory_space<vmem>>) semaphore(%arg8 : memref<!tpu.dma_semaphore, #tpu.memory_space<semaphore_mem>>)
      } else {
      }
      %mul3A_57 = arith.constant 80 : i32
      %mul3A_58 = arith.muli %add3A_43, %mul3A_57 : i32
      %add3A_59 = arith.addi %mul3A_2, %mul3A_58 : i32
      %dma_start3A_60 = arith.constant 0 : i32
      %dma_start3A_61 = tpu.memref_slice %arg4[%add3A_59, %dma_start3A_60] : memref<204800x512xf32, #tpu.memory_space<hbm>> -> memref<80x512xf32, #tpu.memory_space<hbm>>
      %dma_start3A_62 = arith.constant 0 : i32
      %dma_start3A_63 = tpu.memref_slice %arg4[%add3A_59, %dma_start3A_62] : memref<204800x512xf32, #tpu.memory_space<hbm>> -> memref<80x512xf32, #tpu.memory_space<hbm>>
      tpu.enqueue_dma source(%arg7 : memref<80x512xf32, #tpu.memory_space<vmem>>) target(%dma_start3A_63 : memref<80x512xf32, #tpu.memory_space<hbm>>) target_semaphore(%arg11 : memref<!tpu.dma_semaphore, #tpu.memory_space<semaphore_mem>>)
      %mul3A_64 = arith.constant 80 : i32
      %mul3A_65 = arith.muli %add3A_43, %mul3A_64 : i32
      %add3A_66 = arith.addi %mul3A_2, %mul3A_65 : i32
      %dma_wait3A_67 = arith.constant 0 : i32
      %dma_wait3A_68 = tpu.memref_slice %arg4[%add3A_66, %dma_wait3A_67] : memref<204800x512xf32, #tpu.memory_space<hbm>> -> memref<80x512xf32, #tpu.memory_space<hbm>>
      %dma_wait3A_69 = arith.constant 0 : i32
      %dma_wait3A_70 = tpu.memref_slice %arg4[%add3A_66, %dma_wait3A_69] : memref<204800x512xf32, #tpu.memory_space<hbm>> -> memref<80x512xf32, #tpu.memory_space<hbm>>
      tpu.wait_dma2 semaphore(%arg11 : memref<!tpu.dma_semaphore, #tpu.memory_space<semaphore_mem>>) src(%arg7 : memref<80x512xf32, #tpu.memory_space<vmem>>) dst(%dma_wait3A_70 : memref<80x512xf32, #tpu.memory_space<hbm>>)
    }
    %scan3A_13 = arith.constant 40 : i32
    return
  }
}

</mosaic_0001>

<sc_bundles>
// kernel: kernel.3.cloned.1.call-start
scs
__scs_entry_jumppad:
0x0: {  	(pc) =	sbr.rel $0x88, $3  }
0x1: {  	(tag) =	ssettag $0x0;
	lr =	simm.s32 $0x1  }
0x2: {  	[smem:$0x3F9F] =	sst lr;
	_ =	strace $0xD0000000  }
0x3: {  	_ = 	snop  }
0x4: {  	_ = 	snop  }
0x5: {  	_ = 	snop  }
0x6: {  	_ = 	snop  }
0x7: {  	_ = 	snop  }
__scs_overlays_trampoline_lowered:
0x8: {  	[smem:$0x3FAE] =	sst s0  }
0x9: {  	[smem:$0x3FAF] =	sst s1  }
0xa: {  	[smem:$0x3FB0] =	sst s2  }
0xb: {  	[smem:$0x3FB1] =	sst s3  }
0xc: {  	[smem:$0x3FB2] =	sst s4  }
0xd: {  	[smem:$0x3FB3] =	sst s5  }
0xe: {  	[smem:$0x3FB4] =	sst s6  }
0xf: {  	[smem:$0x3FB5] =	sst s7  }
0x10: {  	[smem:$0x3FB6] =	sst s8  }
0x11: {  	[smem:$0x3FB7] =	sst s9;
	s0 =	simm.s32 @!p0 $0x0  }
0x12: {  	s1 =	sld [smem:$0x3F9D];
	s0 =	simm.s32 @p0 $0x1  }
0x13: {  	[smem:$0x3FB8] =	sst s0;
	s0 =	simm.s32 @!p1 $0x0  }
0x14: {  	s2 =	sld [smem:$0x3F9C];
	s0 =	simm.s32 @p1 $0x1  }
0x15: {  	[smem:$0x3FB9] =	sst s0;
	s0 =	simm.s32 @!p2 $0x0  }
0x16: {  	s3 =	sld [smem:$0x3FDB];
	s0 =	simm.s32 @p2 $0x1  }
0x17: {  	s4 =	simm.s32 $0x1BF5;
	[smem:$0x3FBB] =	sst s0  }
0x18: {  	s0 =	sld [smem:$0x3F9E];
	_ =	swait.ge [sflag:s4], $0x0  }
0x19: {  	s7 =	sld [smem:$0x3F9F]  }
0x1a: {  	s8 =	sadd.s32 $0xFFFFE003, lr  }
0x1b: {  	s9 =	sadd.s32 $0xFFFFFEF7, lr;
	s5 =	simm.s32 $0xFFFFFFFF;
	p2 =	slt.u32 s8, $0xFFFFF086  }
0x1c: {  	p1 =	slt.u32 s9, $0xF7A;
	s5 =	simm.s32 @!p2 $0x0  }
0x1d: {  	s5 =	simm.s32 @p1 $0x1;
	p0 =	seq.s32 s7, s2  }
0x1e: {  	s7 =	smul.u32 @!p0 $0xF7A, s2;
	p2 =	seq.s32 @!p0 s5, $0x0  }
0x1f: {  	s9 =	smul.u32 $0xF7A, s1;
	s8 =	simm.s32 @!p0 $0x1BF5;
	p2 =	por !p2, p0  }
0x20: {  	[sflag:s8] =	ssyncset.s32 @!p0 $0xFFFFF086;
	s6 =	sadd.s32 @!p0 s3, s7;
	s7 =	simm.s32 @!p0 $0x108  }
0x21: {  	s3 =	sadd.s32 s3, s9;
	s6 =	sadd.s32 @!p0 $0x88, s6;
	s7 =	simm.s32 @p2 $0x1082  }
0x22: {  	[simem:s7], [sflag:s8] =	dma.local @!p0 [hbm:s6], $0xF7A  }
0x23: {  	s9 =	sor.u32 $0xD0000000, s2;
	s6 =	simm.s32 $0x108;
	_ =	swait.ge @!p0 [sflag:s8], $0x0  }
0x24: {  	s3 =	sadd.s32 $0x88, s3;
	s6 =	simm.s32 @!p1 $0x1082;
	[sflag:s4] =	ssyncset.s32 $0xFFFFF086  }
0x25: {  	[simem:s6], [sflag:s4] =	dma.local [hbm:s3], $0xF7A  }
0x26: {  	[smem:$0x3F9F] =	sst s1;
	(tag) =	ssettag s2;
	_ =	strace s9  }
0x27: {  	s1 =	sld [smem:$0x3FAF]  }
0x28: {  	s2 =	sld [smem:$0x3FB0]  }
0x29: {  	s4 =	sld [smem:$0x3FB2]  }
0x2a: {  	p0 =	seq.s32 s5, $0x0;
	s5 =	sld [smem:$0x3FB3]  }
0x2b: {  	s6 =	sld [smem:$0x3FB4]  }
0x2c: {  	s7 =	sld [smem:$0x3FB5]  }
0x2d: {  	s3 =	simm.s32 $0x108;
	s8 =	sld [smem:$0x3FB6]  }
0x2e: {  	s3 =	simm.s32 @!p0 $0x1082;
	s9 =	sld [smem:$0x3FB7]  }
0x2f: {  	lr =	sadd.s32 s0, s3;
	s0 =	sld [smem:$0x3FAE]  }
0x30: {  	s3 =	sld [smem:$0x3FB1]  }
0x31: {  	[smem:$0x3FBA] =	sst s10  }
0x32: {  	s10 =	sld [smem:$0x3FB8];
	_ =	sdelay $0x3  }
0x33: {  	p0 =	seq.s32 s10, $0x1;
	s10 =	sld [smem:$0x3FBA];
	_ =	sdelay $0x3  }
0x34: {  	[smem:$0x3FBA] =	sst s10  }
0x35: {  	s10 =	sld [smem:$0x3FB9];
	_ =	sdelay $0x3  }
0x36: {  	p1 =	seq.s32 s10, $0x1;
	s10 =	sld [smem:$0x3FBA];
	_ =	sdelay $0x3  }
0x37: {  	[smem:$0x3FBA] =	sst s10  }
0x38: {  	s10 =	sld [smem:$0x3FBB]  }
0x39: {  	_ = 	snop;
	(pc) =	sbr.ind lr, $3  }
0x3a: {  	_ = 	snop  }
0x3b: {  	_ = 	snop  }
0x3c: {  	p2 =	seq.s32 s10, $0x1;
	s10 =	sld [smem:$0x3FBA]  }
0x3d: {  	_ =	shalt  }
0x3e: {  	_ =	shalt  }
0x3f: {  	_ =	shalt  }
0x40: {  	_ =	shalt  }
0x41: {  	_ =	shalt  }
0x42: {  	_ =	shalt  }
0x43: {  	_ =	shalt  }
0x44: {  	_ =	shalt  }
0x45: {  	_ =	shalt  }
0x46: {  	_ =	shalt  }
0x47: {  	_ =	shalt  }
0x48: {  	_ =	shalt  }
0x49: {  	_ =	shalt  }
0x4a: {  	_ =	shalt  }
0x4b: {  	_ =	shalt  }
0x4c: {  	_ =	shalt  }
0x4d: {  	_ =	shalt  }
0x4e: {  	_ =	shalt  }
0x4f: {  	_ =	shalt  }
0x50: {  	_ =	shalt  }
0x51: {  	_ =	shalt  }
0x52: {  	_ =	shalt  }
0x53: {  	_ =	shalt  }
0x54: {  	_ =	shalt  }
0x55: {  	_ =	shalt  }
0x56: {  	_ =	shalt  }
0x57: {  	_ =	shalt  }
0x58: {  	_ =	shalt  }
0x59: {  	_ =	shalt  }
0x5a: {  	_ =	shalt  }
0x5b: {  	_ =	shalt  }
0x5c: {  	_ =	shalt  }
0x5d: {  	_ =	shalt  }
0x5e: {  	_ =	shalt  }
0x5f: {  	_ =	shalt  }
0x60: {  	_ =	shalt  }
0x61: {  	_ =	shalt  }
0x62: {  	_ =	shalt  }
0x63: {  	_ =	shalt  }
0x64: {  	_ =	shalt  }
0x65: {  	_ =	shalt  }
0x66: {  	_ =	shalt  }
0x67: {  	_ =	shalt  }
0x68: {  	_ =	shalt  }
0x69: {  	_ =	shalt  }
0x6a: {  	_ =	shalt  }
0x6b: {  	_ =	shalt  }
0x6c: {  	_ =	shalt  }
0x6d: {  	_ =	shalt  }
0x6e: {  	_ =	shalt  }
0x6f: {  	_ =	shalt  }
0x70: {  	_ =	shalt  }
0x71: {  	_ =	shalt  }
0x72: {  	_ =	shalt  }
0x73: {  	_ =	shalt  }
0x74: {  	_ =	shalt  }
0x75: {  	_ =	shalt  }
0x76: {  	_ =	shalt  }
0x77: {  	_ =	shalt  }
0x78: {  	_ =	shalt  }
0x79: {  	_ =	shalt  }
0x7a: {  	_ =	shalt  }
0x7b: {  	_ =	shalt  }
0x7c: {  	_ =	shalt  }
0x7d: {  	_ =	shalt  }
0x7e: {  	_ =	shalt  }
0x7f: {  	_ =	shalt  }
0x80: {  	_ =	shalt  }
0x81: {  	_ =	shalt  }
0x82: {  	_ =	shalt  }
0x83: {  	_ =	shalt  }
0x84: {  	_ =	shalt  }
0x85: {  	_ =	shalt  }
0x86: {  	_ =	shalt  }
0x87: {  	_ =	shalt  }
.Lfunc_end0:
.L_simem_size_0:
called_computation_lowered:
.L_overlay_start_0:
0x88: {  	s2 =	sld [smem:$0x3FD9]  }
0x89: {  	s3 =	sld [smem:$0x3FFE];
	_ =	sdelay $0x1  }
0x8a: {  	s1 =	srdreg.scid  }
0x8b: {  	s0 =	sand.u32 $0x1, s1  }
0x8c: {  	s17 =	sshll.u32 s0, $0xA;
	s2 =	sadd.s32 s3, s2  }
0x8d: {  	s2 =	sadd.s32 s2, s17  }
0x8e: {  	[smem:$0x3FC6] =	sst s2  }
0x8f: {  	_ = 	snop  }
0x90: {  	s2 =	sld [smem:$0x3FC8]  }
0x91: {  	s18 =	sld [smem:$0x3FD0];
	(tm) =	ssettm $0x1  }
0x92: {  	s4 =	sld [smem:$0x3FFB];
	_ =	sdelay $0x3  }
0x93: {  	_ =	strace s4  }
0x94: {  	s4 =	sld [smem:$0x3FFC];
	_ =	sdelay $0x3  }
0x95: {  	_ =	strace s4  }
0x96: {  	s4 =	sld [smem:$0x3FFD];
	_ =	sdelay $0x3  }
0x97: {  	_ =	strace s4  }
0x98: {  	_ =	strace $0x8FFFFFFF  }
0x99: {  	s19 =	sld [smem:$0x3FDB];
	_ =	sdelay $0x1  }
0x9a: {  	s5 =	simm.s32 $_scs_section_size  }
0x9b: {  	s6 =	simm.s32 $_size__tile_overlayer_lowered;
	s7 =	simm.s32 $_tile_overlayer_lowered  }
0x9c: {  	s22 =	simm.s32 $0x1BFF;
	s21 =	sshll.u32 s7, $0x1;
	s4 =	sadd.s32 s5, s19  }
0x9d: {  	s8 =	simm.s32 $0x0;
	s20 =	sshll.u32 s6, $0x1;
	s6 =	sadd.s32 s21, s4  }
0x9e: {  	[timem:s8], [sflag:s22] =	dma.local [hbm:s6], s20  }
0x9f: {  	_ =	swait.ge [sflag:s22], s20  }
0xa0: {  	s5 =	ssub.s32 $0x0, s20;
	[sflag:s22] =	ssyncset.done $0x0  }
0xa1: {  	[sflag:s22] =	ssyncadd.s32 s5;
	_ =	sdelay $0x1  }
0xa2: {  	s23 =	simm.s32 $0x1B8B  }
0xa3: {  	_ =	swait.ge [sflag:s23], $0x1  }
0xa4: {  	[sflag:s23] =	ssyncset.done $0x0  }
0xa5: {  	s25 =	simm.s32 $0x1B8E;
	s24 =	sld [smem:$0x3FFE];
	[sflag:s23] =	ssyncadd.s32 $0xFFFFFFFF  }
0xa6: {  	s26 =	simm.s32 $execute0_lowered;
	[smem:$0x3FD2] =	sst s25  }
0xa7: {  	s6 =	sshll.u32 s26, $0x1;
	_ =	strace $0x80000046;
	[dreg:$0x1] =	wrdreg $0xFFFFFFFF  }
0xa8: {  	s28 =	simm.s32 $_size_execute0_lowered;
	s4 =	sadd.s32 s4, s6;
	[dreg:$0x0] =	wrdreg $0x0  }
0xa9: {  	s6 =	sshll.u32 s28, $0x1;
	[dreg:$0x2] =	wrdreg s4  }
0xaa: {  	[dreg:$0x3] =	wrdreg s6  }
0xab: {  	[dreg:$0x4] =	wrdreg $0xC0  }
0xac: {  	_ =	task [dreg:s8], $0x5FFFF  }
0xad: {  	[dreg:$0x1] =	wrdreg $0xFFFFFFFF  }
0xae: {  	[dreg:$0x0] =	wrdreg $0x60  }
0xaf: {  	[dreg:$0x2] =	wrdreg s24  }
0xb0: {  	[dreg:$0x3] =	wrdreg s2  }
0xb1: {  	[dreg:$0x4] =	wrdreg s18  }
0xb2: {  	[dreg:$0x5] =	wrdreg $0x9  }
0xb3: {  	_ =	task.clear_ibuf [dreg:s8], $0x6FFFF;
	_ =	strace $0x90000046  }
0xb4: {  	s29 =	simm.s32 $0x9;
	_ =	strace $0x80000048  }
0xb5: {  	_ =	swait.ge [sflag:s29], $0x1  }
0xb6: {  	[sflag:s29] =	ssyncadd.s32 $0xFFFFFFFF  }
0xb7: {  	_ =	strace $0x90000048  }
0xb8: {  	_ =	sfence  }
0xb9: {  	s30 =	sld [smem:$0x0];
	_ =	sdelay $0x2  }
0xba: {  	s31 =	sshll.u32 s1, $0xD;
	s1 =	sshrl.u32 s1, $0x2  }
0xbb: {  	s3 =	sand.u32 $0x4000, s31;
	s1 =	sadd.s32 s1, s30  }
0xbc: {  	s0 =	sor.u32 s3, s0;
	s1 =	sshll.u32 s1, $0x11  }
0xbd: {  	s0 =	sor.u32 s1, s0  }
0xbe: {  	s0 =	sadd.s32 $0x8F2B, s0  }
0xbf: {  	[sflag:s0] =	ssyncadd.remote.s32 $0x1  }
0xc0: {  	_ =	sfence.sel $0xFFFF  }
0xc1: {  	[dreg:$0x0] =	wrdreg $0xFFFFFFFF;
	(pc) =	sbr.abs _section_cstart, $3  }
0xc2: {  	[dreg:$0x1] =	wrdreg $0xFFFFFFFF  }
0xc3: {  	_ =	task.clear_ibuf [dreg:s8], $0x2FFFF;
	_ =	strace $0x9FFFFFFF  }
0xc4: {  	(tm) =	ssettm $0x7FFFFFFF  }
0xc5: {  	_ =	shalt  }
tec
execute0_lowered:
.L_overlay_start_1:
0x0: {  	(tag) =	ssettag $0x1  }
0x1: {  	s0 =	rddreg [dreg:$0x0]  }
0x2: {  	s2 =	rddreg [dreg:$0x1];
	s1 =	srdreg.scid  }
0x3: {  	s8 =	stileid.u32;
	s4 =	rddreg [dreg:$0x2]  }
0x4: {  	s3 =	simm.s32 $0x0;
	s9 =	simm.s32 $0x2800;
	s30 =	simm.s32 $0x1  }
0x5: {  	s31 =	simm.s32 $0xC800;
	s10 =	simm.s32 $0xF800;
	s11 =	simm.s32 $0x10000  }
0x6: {  	s12 =	simm.s32 $0x10800;
	s13 =	simm.s32 $0x11000;
	s14 =	simm.s32 $0x11800  }
0x7: {  	s15 =	simm.s32 $0x12000;
	s16 =	simm.s32 $0x12800;
	s17 =	simm.s32 $0x13000  }
0x8: {  	s18 =	simm.s32 $0x13800;
	s19 =	simm.s32 $0x14000;
	s20 =	simm.s32 $0x14800  }
0x9: {  	s21 =	simm.s32 $0x15000;
	s22 =	simm.s32 $0x15800;
	s23 =	simm.s32 $0x16000  }
0xa: {  	s24 =	simm.s32 $0x3;
	s25 =	simm.s32 $0x2;
	s1 =	sand.u32 $0x1, s1  }
0xb: {  	s5 =	sshll.u32 s8, $0x1;
	[smem:$0x7FF] =	sst s3;
	s8 =	smul.u32 $0xC8000, s8  }
0xc: {  	s5 =	sor.u32 s1, s5;
	s6 =	ssub.s32 $0x2, s1;
	s1 =	smul.u32 $0x64000, s1  }
0xd: {  	s26 =	simm.s32 $0x4;
	_ =	strace $0x80000047;
	s5 =	smul.u32 $0x500, s5  }
.Ltmp0:
0xe: {  	s7 =	sshrl.u32 s6, $0x1;
	s28 =	sadd.s32 s8, s4;
	(pc) =	sbr.rel .LBB2_1-.Ltmp0, $4  }
0xf: {  	s4 =	simm.s32 $0xE000;
	s8 =	simm.s32 $0xF000;
	s6 =	ssub.s32 s6, s7  }
0x10: {  	v2 =	vlaneseq.u32;
	s7 =	sadd.s32 s1, s28;
	s0 =	sadd.s32 s5, s0;
	s29 =	smax.u32 s6, $0x1  }
0x11: {  	vm0 =	vmmov $0xffff;
	v1 =	vshrl.u32 v2, $0x3;
	s5 =	sadd.s32 $0x100, s2;
	s0 =	sadd.s32 $0x400, s0;
	[dreg:$0x5] =	wrdreg s29  }
0x12: {  	v0 =	vand.u32 $0x7, v2;
	v2 =	vor.u32 $0x8, v2;
	v1 =	vmul.u32 $0x8, v1;
	s6 =	simm.s32 $0xE800;
	[dreg:$0x4] =	wrdreg s0;
	s0 =	simm.s32 $0x0  }
.LBB2_5:
0x13: {  	s0 =	rddreg [dreg:$0x6]  }
0x14: {  	s1 =	rddreg [dreg:$0x5];
	s0 =	sadd.s32 $0x1, s0  }
0x15: {  	p0 =	sne.s32 s0, s1  }
.Ltmp1:
0x16: {  	_ = 	snop;
	(pc) =	sbr.rel @!p0 .LBB2_6-.Ltmp1, $1  }
0x17: {  	_ =	sdelay $0x3  }
.LBB2_1:
0x18: {  	[dreg:$0x6] =	wrdreg s0  }
0x19: {  	s1 =	rddreg [dreg:$0x4];
	s0 =	simm.s32 $0x5  }
0x1a: {  	[tilespmem:s3], [sflag:$0x5] =	stream.linear.gather [hbm4b:s1+s3], $0x2800, $0x38;
	[tilespmem:$0x16800] =	vst v63  }
0x1b: {  	_ =	swait.ge [sflag:s0], $0x2800  }
0x1c: {  	[sflag:s0] =	ssyncset.done $0x0  }
0x1d: {  	[sflag:s0] =	ssyncadd.s32 $0xFFFFD800  }
0x1e: {  	v3 =	vld [tilespmem:$0x0];
	_ =	sdelay $0x4  }
0x1f: {  	v4 =	vshll.u32 v3, $0x2  }
0x20: {  	v3 =	vand.u32 $0x7, v3;
	v4 =	vand.u32 $0xFFFFFFE0, v4  }
0x21: {  	v3 =	vor.u32 v3, v4  }
0x22: {  	v4 =	vperm.xlane v3, v0;
	_ =	sdelay $0x1  }
0x23: {  	v4 =	vadd.s32 v1, v4;
	_ =	sdelay $0x1  }
0x24: {  	v3 =	vperm.xlane v3, v2;
	_ =	sdelay $0x1  }
0x25: {  	v3 =	vadd.s32 v1, v3  }
0x26: {  	[tilespmem:s9], [sflag:$0x1] =	stream.indirect_vreg.gather [hbm4b:s2+s3], $0x80, v4, vm0, $0xb8;
	[tilespmem:$0x16800] =	vst v63  }
0x27: {  	s0 =	simm.s32 $0x3000  }
0x28: {  	[tilespmem:s0], [sflag:$0x1] =	stream.indirect_vreg.gather [hbm4b:s5+s3], $0x80, v4, vm0, $0xb8;
	[tilespmem:$0x16800] =	vst v63  }
0x29: {  	s1 =	simm.s32 $0x3800  }
0x2a: {  	[tilespmem:s1], [sflag:$0x1] =	stream.indirect_vreg.gather [hbm4b:s2+s3], $0x80, v3, vm0, $0xb8;
	[tilespmem:$0x16800] =	vst v63  }
0x2b: {  	s1 =	simm.s32 $0x4000  }
0x2c: {  	[tilespmem:s1], [sflag:$0x1] =	stream.indirect_vreg.gather [hbm4b:s5+s3], $0x80, v3, vm0, $0xb8;
	[tilespmem:$0x16800] =	vst v63  }
0x2d: {  	v3 =	vld [tilespmem:$0x10];
	_ =	sdelay $0x4  }
0x2e: {  	v60 =	vshll.u32 v3, $0x2  }
0x2f: {  	v3 =	vand.u32 $0x7, v3;
	v4 =	vand.u32 $0xFFFFFFE0, v60  }
0x30: {  	v3 =	vor.u32 v3, v4  }
0x31: {  	v4 =	vperm.xlane v3, v0;
	_ =	sdelay $0x1  }
0x32: {  	v4 =	vadd.s32 v1, v4;
	_ =	sdelay $0x1  }
0x33: {  	v3 =	vperm.xlane v3, v2;
	_ =	sdelay $0x1  }
0x34: {  	s1 =	simm.s32 $0x4800;
	v3 =	vadd.s32 v1, v3  }
0x35: {  	[tilespmem:s1], [sflag:$0x1] =	stream.indirect_vreg.gather [hbm4b:s2+s3], $0x80, v4, vm0, $0xb8;
	[tilespmem:$0x16800] =	vst v63  }
0x36: {  	s1 =	simm.s32 $0x5000  }
0x37: {  	[tilespmem:s1], [sflag:$0x1] =	stream.indirect_vreg.gather [hbm4b:s5+s3], $0x80, v4, vm0, $0xb8;
	[tilespmem:$0x16800] =	vst v63  }
0x38: {  	s1 =	simm.s32 $0x5800  }
0x39: {  	[tilespmem:s1], [sflag:$0x1] =	stream.indirect_vreg.gather [hbm4b:s2+s3], $0x80, v3, vm0, $0xb8;
	[tilespmem:$0x16800] =	vst v63  }
0x3a: {  	s1 =	simm.s32 $0x6000  }
0x3b: {  	[tilespmem:s1], [sflag:$0x1] =	stream.indirect_vreg.gather [hbm4b:s5+s3], $0x80, v3, vm0, $0xb8;
	[tilespmem:$0x16800] =	vst v63  }
0x3c: {  	v3 =	vld [tilespmem:$0x20];
	_ =	sdelay $0x4  }
0x3d: {  	v61 =	vshll.u32 v3, $0x2  }
0x3e: {  	v3 =	vand.u32 $0x7, v3;
	v4 =	vand.u32 $0xFFFFFFE0, v61  }
0x3f: {  	v3 =	vor.u32 v3, v4  }
0x40: {  	v4 =	vperm.xlane v3, v0;
	_ =	sdelay $0x1  }
0x41: {  	v4 =	vadd.s32 v1, v4;
	_ =	sdelay $0x1  }
0x42: {  	v3 =	vperm.xlane v3, v2;
	_ =	sdelay $0x1  }
0x43: {  	s1 =	simm.s32 $0x6800;
	v3 =	vadd.s32 v1, v3  }
0x44: {  	[tilespmem:s1], [sflag:$0x1] =	stream.indirect_vreg.gather [hbm4b:s2+s3], $0x80, v4, vm0, $0xb8;
	[tilespmem:$0x16800] =	vst v63  }
0x45: {  	s1 =	simm.s32 $0x7000  }
0x46: {  	[tilespmem:s1], [sflag:$0x1] =	stream.indirect_vreg.gather [hbm4b:s5+s3], $0x80, v4, vm0, $0xb8;
	[tilespmem:$0x16800] =	vst v63  }
0x47: {  	s1 =	simm.s32 $0x7800  }
0x48: {  	[tilespmem:s1], [sflag:$0x1] =	stream.indirect_vreg.gather [hbm4b:s2+s3], $0x80, v3, vm0, $0xb8;
	[tilespmem:$0x16800] =	vst v63  }
0x49: {  	s1 =	simm.s32 $0x8000  }
0x4a: {  	[tilespmem:s1], [sflag:$0x1] =	stream.indirect_vreg.gather [hbm4b:s5+s3], $0x80, v3, vm0, $0xb8;
	[tilespmem:$0x16800] =	vst v63  }
0x4b: {  	v3 =	vld [tilespmem:$0x30];
	_ =	sdelay $0x4  }
0x4c: {  	v62 =	vshll.u32 v3, $0x2  }
0x4d: {  	v3 =	vand.u32 $0x7, v3;
	v4 =	vand.u32 $0xFFFFFFE0, v62  }
0x4e: {  	v3 =	vor.u32 v3, v4  }
0x4f: {  	v4 =	vperm.xlane v3, v0;
	_ =	sdelay $0x1  }
0x50: {  	v4 =	vadd.s32 v1, v4;
	_ =	sdelay $0x1  }
0x51: {  	v3 =	vperm.xlane v3, v2;
	_ =	sdelay $0x1  }
0x52: {  	s1 =	simm.s32 $0x8800;
	v3 =	vadd.s32 v1, v3  }
0x53: {  	[tilespmem:s1], [sflag:$0x1] =	stream.indirect_vreg.gather [hbm4b:s2+s3], $0x80, v4, vm0, $0xb8;
	[tilespmem:$0x16800] =	vst v63  }
0x54: {  	s1 =	simm.s32 $0x9000  }
0x55: {  	[tilespmem:s1], [sflag:$0x1] =	stream.indirect_vreg.gather [hbm4b:s5+s3], $0x80, v4, vm0, $0xb8;
	[tilespmem:$0x16800] =	vst v63  }
0x56: {  	s1 =	simm.s32 $0x9800  }
0x57: {  	[tilespmem:s1], [sflag:$0x1] =	stream.indirect_vreg.gather [hbm4b:s2+s3], $0x80, v3, vm0, $0xb8;
	[tilespmem:$0x16800] =	vst v63  }
0x58: {  	s1 =	simm.s32 $0xA000  }
0x59: {  	[tilespmem:s1], [sflag:$0x1] =	stream.indirect_vreg.gather [hbm4b:s5+s3], $0x80, v3, vm0, $0xb8;
	[tilespmem:$0x16800] =	vst v63  }
0x5a: {  	v3 =	vld [tilespmem:$0x40];
	_ =	sdelay $0x4  }
0x5b: {  	v63 =	vshll.u32 v3, $0x2  }
0x5c: {  	v3 =	vand.u32 $0x7, v3;
	v4 =	vand.u32 $0xFFFFFFE0, v63  }
0x5d: {  	v3 =	vor.u32 v3, v4  }
0x5e: {  	v4 =	vperm.xlane v3, v0;
	_ =	sdelay $0x1  }
0x5f: {  	v4 =	vadd.s32 v1, v4;
	_ =	sdelay $0x2  }
0x60: {  	v3 =	vperm.xlane v3, v2  }
0x61: {  	s1 =	simm.s32 $0xA800  }
0x62: {  	v3 =	vadd.s32 v1, v3;
	[tilespmem:s1], [sflag:$0x1] =	stream.indirect_vreg.gather [hbm4b:s2+s3], $0x80, v4, vm0, $0xb8;
	[tilespmem:$0x16800] =	vst v63  }
0x63: {  	s1 =	simm.s32 $0xB000  }
0x64: {  	[tilespmem:s1], [sflag:$0x1] =	stream.indirect_vreg.gather [hbm4b:s5+s3], $0x80, v4, vm0, $0xb8;
	[tilespmem:$0x16800] =	vst v63  }
.Ltmp2:
0x65: {  	_ = 	snop;
	(pc) =	sbr.rel .LBB2_2-.Ltmp2, $4  }
0x66: {  	s1 =	simm.s32 $0xB800  }
0x67: {  	[tilespmem:s1], [sflag:$0x1] =	stream.indirect_vreg.gather [hbm4b:s2+s3], $0x80, v3, vm0, $0xb8;
	[tilespmem:$0x16800] =	vst v63  }
0x68: {  	s28 =	simm.s32 $0xA0;
	s29 =	simm.s32 $0x0;
	s1 =	simm.s32 $0xC000  }
0x69: {  	[tilespmem:s1], [sflag:$0x1] =	stream.indirect_vreg.gather [hbm4b:s5+s3], $0x80, v3, vm0, $0xb8;
	[tilespmem:$0x16800] =	vst v63  }
.LBB2_4:
0x6a: {  	s29 =	sadd.s32 $0x2800, s29  }
0x6b: {  	p0 =	sne.s32 s29, $0x64000  }
.Ltmp3:
0x6c: {  	s1 =	sadd.s32 $0x1400, s1;
	(pc) =	sbr.rel @!p0 .LBB2_5-.Ltmp3, $4  }
0x6d: {  	[hbm4b:s1+s3] =	stream.linear.scatter [tilespmem:s31], [sflag:$0x4], $0xA000, $0x38;
	[tilespmem:$0x16800] =	vst v63  }
0x6e: {  	_ =	swait.ge [sflag:s26], $0xA000  }
0x6f: {  	[sflag:s26] =	ssyncset.done $0x0  }
0x70: {  	s28 =	sadd.s32 $0x100, s28;
	[sflag:s26] =	ssyncadd.s32 $0xFFFF6000  }
.LBB2_2:
0x71: {  	_ =	swait.ge [sflag:s30], $0xA000  }
0x72: {  	[sflag:s30] =	ssyncset.done $0x0  }
0x73: {  	[sflag:s30] =	ssyncadd.s32 $0xFFFF6000  }
0x74: {  	v3 =	vld [tilespmem:s28+$0xFFFFFFE0];
	_ =	sdelay $0x4  }
0x75: {  	v4 =	vshll.u32 v3, $0x2  }
0x76: {  	v3 =	vand.u32 $0x7, v3;
	v4 =	vand.u32 $0xFFFFFFE0, v4  }
0x77: {  	v3 =	vor.u32 v3, v4  }
0x78: {  	v4 =	vperm.xlane v3, v0;
	_ =	sdelay $0x1  }
0x79: {  	v4 =	vadd.s32 v1, v4;
	_ =	sdelay $0x1  }
0x7a: {  	v3 =	vperm.xlane v3, v2;
	_ =	sdelay $0x1  }
0x7b: {  	v3 =	vadd.s32 v1, v3  }
0x7c: {  	[tilespmem:s31], [sflag:$0x2] =	stream.indirect_vreg.gather [hbm4b:s2+s3], $0x80, v4, vm0, $0xb8;
	[tilespmem:$0x16800] =	vst v63  }
0x7d: {  	s0 =	simm.s32 $0xD000  }
0x7e: {  	[tilespmem:s0], [sflag:$0x2] =	stream.indirect_vreg.gather [hbm4b:s5+s3], $0x80, v4, vm0, $0xb8;
	[tilespmem:$0x16800] =	vst v63  }
0x7f: {  	s1 =	simm.s32 $0xD800  }
0x80: {  	[tilespmem:s1], [sflag:$0x2] =	stream.indirect_vreg.gather [hbm4b:s2+s3], $0x80, v3, vm0, $0xb8;
	[tilespmem:$0x16800] =	vst v63  }
0x81: {  	_ = 	snop  }
0x82: {  	[tilespmem:s4], [sflag:$0x2] =	stream.indirect_vreg.gather [hbm4b:s5+s3], $0x80, v3, vm0, $0xb8;
	[tilespmem:$0x16800] =	vst v63  }
0x83: {  	v3 =	vld [tilespmem:s28+$0xFFFFFFF0];
	_ =	sdelay $0x4  }
0x84: {  	v60 =	vshll.u32 v3, $0x2  }
0x85: {  	v3 =	vand.u32 $0x7, v3;
	v4 =	vand.u32 $0xFFFFFFE0, v60  }
0x86: {  	v3 =	vor.u32 v3, v4  }
0x87: {  	v4 =	vperm.xlane v3, v0;
	_ =	sdelay $0x1  }
0x88: {  	v4 =	vadd.s32 v1, v4;
	_ =	sdelay $0x1  }
0x89: {  	v3 =	vperm.xlane v3, v2;
	_ =	sdelay $0x1  }
0x8a: {  	v3 =	vadd.s32 v1, v3  }
0x8b: {  	[tilespmem:s6], [sflag:$0x2] =	stream.indirect_vreg.gather [hbm4b:s2+s3], $0x80, v4, vm0, $0xb8;
	[tilespmem:$0x16800] =	vst v63  }
0x8c: {  	_ = 	snop  }
0x8d: {  	[tilespmem:s8], [sflag:$0x2] =	stream.indirect_vreg.gather [hbm4b:s5+s3], $0x80, v4, vm0, $0xb8;
	[tilespmem:$0x16800] =	vst v63  }
0x8e: {  	_ = 	snop  }
0x8f: {  	[tilespmem:s10], [sflag:$0x2] =	stream.indirect_vreg.gather [hbm4b:s2+s3], $0x80, v3, vm0, $0xb8;
	[tilespmem:$0x16800] =	vst v63  }
0x90: {  	_ = 	snop  }
0x91: {  	[tilespmem:s11], [sflag:$0x2] =	stream.indirect_vreg.gather [hbm4b:s5+s3], $0x80, v3, vm0, $0xb8;
	[tilespmem:$0x16800] =	vst v63  }
0x92: {  	v3 =	vld [tilespmem:s28+$0x0];
	_ =	sdelay $0x4  }
0x93: {  	v61 =	vshll.u32 v3, $0x2  }
0x94: {  	v3 =	vand.u32 $0x7, v3;
	v4 =	vand.u32 $0xFFFFFFE0, v61  }
0x95: {  	v3 =	vor.u32 v3, v4  }
0x96: {  	v4 =	vperm.xlane v3, v0;
	_ =	sdelay $0x1  }
0x97: {  	v4 =	vadd.s32 v1, v4;
	_ =	sdelay $0x1  }
0x98: {  	v3 =	vperm.xlane v3, v2;
	_ =	sdelay $0x1  }
0x99: {  	v3 =	vadd.s32 v1, v3  }
0x9a: {  	[tilespmem:s12], [sflag:$0x2] =	stream.indirect_vreg.gather [hbm4b:s2+s3], $0x80, v4, vm0, $0xb8;
	[tilespmem:$0x16800] =	vst v63  }
0x9b: {  	_ = 	snop  }
0x9c: {  	[tilespmem:s13], [sflag:$0x2] =	stream.indirect_vreg.gather [hbm4b:s5+s3], $0x80, v4, vm0, $0xb8;
	[tilespmem:$0x16800] =	vst v63  }
0x9d: {  	_ = 	snop  }
0x9e: {  	[tilespmem:s14], [sflag:$0x2] =	stream.indirect_vreg.gather [hbm4b:s2+s3], $0x80, v3, vm0, $0xb8;
	[tilespmem:$0x16800] =	vst v63  }
0x9f: {  	_ = 	snop  }
0xa0: {  	[tilespmem:s15], [sflag:$0x2] =	stream.indirect_vreg.gather [hbm4b:s5+s3], $0x80, v3, vm0, $0xb8;
	[tilespmem:$0x16800] =	vst v63  }
0xa1: {  	v3 =	vld [tilespmem:s28+$0x10];
	_ =	sdelay $0x4  }
0xa2: {  	v62 =	vshll.u32 v3, $0x2  }
0xa3: {  	v3 =	vand.u32 $0x7, v3;
	v4 =	vand.u32 $0xFFFFFFE0, v62  }
0xa4: {  	v3 =	vor.u32 v3, v4  }
0xa5: {  	v4 =	vperm.xlane v3, v0;
	_ =	sdelay $0x1  }
0xa6: {  	v4 =	vadd.s32 v1, v4;
	_ =	sdelay $0x1  }
0xa7: {  	v3 =	vperm.xlane v3, v2;
	_ =	sdelay $0x1  }
0xa8: {  	v3 =	vadd.s32 v1, v3  }
0xa9: {  	[tilespmem:s16], [sflag:$0x2] =	stream.indirect_vreg.gather [hbm4b:s2+s3], $0x80, v4, vm0, $0xb8;
	[tilespmem:$0x16800] =	vst v63  }
0xaa: {  	_ = 	snop  }
0xab: {  	[tilespmem:s17], [sflag:$0x2] =	stream.indirect_vreg.gather [hbm4b:s5+s3], $0x80, v4, vm0, $0xb8;
	[tilespmem:$0x16800] =	vst v63  }
0xac: {  	_ = 	snop  }
0xad: {  	[tilespmem:s18], [sflag:$0x2] =	stream.indirect_vreg.gather [hbm4b:s2+s3], $0x80, v3, vm0, $0xb8;
	[tilespmem:$0x16800] =	vst v63  }
0xae: {  	_ = 	snop  }
0xaf: {  	[tilespmem:s19], [sflag:$0x2] =	stream.indirect_vreg.gather [hbm4b:s5+s3], $0x80, v3, vm0, $0xb8;
	[tilespmem:$0x16800] =	vst v63  }
0xb0: {  	v3 =	vld [tilespmem:s28+$0x20];
	_ =	sdelay $0x4  }
0xb1: {  	v63 =	vshll.u32 v3, $0x2  }
0xb2: {  	v3 =	vand.u32 $0x7, v3;
	v4 =	vand.u32 $0xFFFFFFE0, v63  }
0xb3: {  	v3 =	vor.u32 v3, v4  }
0xb4: {  	v4 =	vperm.xlane v3, v0;
	_ =	sdelay $0x1  }
0xb5: {  	v4 =	vadd.s32 v1, v4;
	_ =	sdelay $0x1  }
0xb6: {  	v3 =	vperm.xlane v3, v2;
	_ =	sdelay $0x1  }
0xb7: {  	v3 =	vadd.s32 v1, v3  }
0xb8: {  	[tilespmem:s20], [sflag:$0x2] =	stream.indirect_vreg.gather [hbm4b:s2+s3], $0x80, v4, vm0, $0xb8;
	[tilespmem:$0x16800] =	vst v63  }
0xb9: {  	_ = 	snop  }
0xba: {  	[tilespmem:s21], [sflag:$0x2] =	stream.indirect_vreg.gather [hbm4b:s5+s3], $0x80, v4, vm0, $0xb8;
	[tilespmem:$0x16800] =	vst v63  }
0xbb: {  	_ = 	snop  }
0xbc: {  	[tilespmem:s22], [sflag:$0x2] =	stream.indirect_vreg.gather [hbm4b:s2+s3], $0x80, v3, vm0, $0xb8;
	[tilespmem:$0x16800] =	vst v63  }
0xbd: {  	_ = 	snop  }
0xbe: {  	[tilespmem:s23], [sflag:$0x2] =	stream.indirect_vreg.gather [hbm4b:s5+s3], $0x80, v3, vm0, $0xb8;
	[tilespmem:$0x16800] =	vst v63  }
0xbf: {  	s1 =	sadd.s32 s29, s7  }
0xc0: {  	[hbm4b:s1+s3] =	stream.linear.scatter [tilespmem:s9], [sflag:$0x3], $0xA000, $0x38;
	[tilespmem:$0x16800] =	vst v63  }
0xc1: {  	p0 =	seq.s32 s29, $0x61800;
	_ =	swait.ge [sflag:s24], $0xA000  }
.Ltmp4:
0xc2: {  	[sflag:s24] =	ssyncset.done $0x0;
	(pc) =	sbr.rel @p0 .LBB2_4-.Ltmp4, $4  }
0xc3: {  	[sflag:s24] =	ssyncadd.s32 $0xFFFF6000  }
0xc4: {  	_ =	swait.ge [sflag:s25], $0xA000  }
0xc5: {  	[sflag:s25] =	ssyncset.done $0x0  }
0xc6: {  	[sflag:s25] =	ssyncadd.s32 $0xFFFF6000  }
0xc7: {  	v3 =	vld [tilespmem:s28+$0x60];
	_ =	sdelay $0x4  }
0xc8: {  	v4 =	vshll.u32 v3, $0x2  }
0xc9: {  	v3 =	vand.u32 $0x7, v3;
	v4 =	vand.u32 $0xFFFFFFE0, v4  }
0xca: {  	v3 =	vor.u32 v3, v4  }
0xcb: {  	v4 =	vperm.xlane v3, v0;
	_ =	sdelay $0x1  }
0xcc: {  	v4 =	vadd.s32 v1, v4;
	_ =	sdelay $0x1  }
0xcd: {  	v3 =	vperm.xlane v3, v2;
	_ =	sdelay $0x1  }
0xce: {  	v3 =	vadd.s32 v1, v3  }
0xcf: {  	[tilespmem:s9], [sflag:$0x1] =	stream.indirect_vreg.gather [hbm4b:s2+s3], $0x80, v4, vm0, $0xb8;
	[tilespmem:$0x16800] =	vst v63  }
0xd0: {  	s0 =	simm.s32 $0x3000  }
0xd1: {  	[tilespmem:s0], [sflag:$0x1] =	stream.indirect_vreg.gather [hbm4b:s5+s3], $0x80, v4, vm0, $0xb8;
	[tilespmem:$0x16800] =	vst v63  }
0xd2: {  	s0 =	simm.s32 $0x3800  }
0xd3: {  	[tilespmem:s0], [sflag:$0x1] =	stream.indirect_vreg.gather [hbm4b:s2+s3], $0x80, v3, vm0, $0xb8;
	[tilespmem:$0x16800] =	vst v63  }
0xd4: {  	s0 =	simm.s32 $0x4000  }
0xd5: {  	[tilespmem:s0], [sflag:$0x1] =	stream.indirect_vreg.gather [hbm4b:s5+s3], $0x80, v3, vm0, $0xb8;
	[tilespmem:$0x16800] =	vst v63  }
0xd6: {  	v3 =	vld [tilespmem:s28+$0x70];
	_ =	sdelay $0x4  }
0xd7: {  	v60 =	vshll.u32 v3, $0x2  }
0xd8: {  	v3 =	vand.u32 $0x7, v3;
	v4 =	vand.u32 $0xFFFFFFE0, v60  }
0xd9: {  	v3 =	vor.u32 v3, v4  }
0xda: {  	v4 =	vperm.xlane v3, v0;
	_ =	sdelay $0x1  }
0xdb: {  	v4 =	vadd.s32 v1, v4;
	_ =	sdelay $0x1  }
0xdc: {  	v3 =	vperm.xlane v3, v2;
	_ =	sdelay $0x1  }
0xdd: {  	s0 =	simm.s32 $0x4800;
	v3 =	vadd.s32 v1, v3  }
0xde: {  	[tilespmem:s0], [sflag:$0x1] =	stream.indirect_vreg.gather [hbm4b:s2+s3], $0x80, v4, vm0, $0xb8;
	[tilespmem:$0x16800] =	vst v63  }
0xdf: {  	s0 =	simm.s32 $0x5000  }
0xe0: {  	[tilespmem:s0], [sflag:$0x1] =	stream.indirect_vreg.gather [hbm4b:s5+s3], $0x80, v4, vm0, $0xb8;
	[tilespmem:$0x16800] =	vst v63  }
0xe1: {  	s0 =	simm.s32 $0x5800  }
0xe2: {  	[tilespmem:s0], [sflag:$0x1] =	stream.indirect_vreg.gather [hbm4b:s2+s3], $0x80, v3, vm0, $0xb8;
	[tilespmem:$0x16800] =	vst v63  }
0xe3: {  	s0 =	simm.s32 $0x6000  }
0xe4: {  	[tilespmem:s0], [sflag:$0x1] =	stream.indirect_vreg.gather [hbm4b:s5+s3], $0x80, v3, vm0, $0xb8;
	[tilespmem:$0x16800] =	vst v63  }
0xe5: {  	v3 =	vld [tilespmem:s28+$0x80];
	_ =	sdelay $0x4  }
0xe6: {  	v61 =	vshll.u32 v3, $0x2  }
0xe7: {  	v3 =	vand.u32 $0x7, v3;
	v4 =	vand.u32 $0xFFFFFFE0, v61  }
0xe8: {  	v3 =	vor.u32 v3, v4  }
0xe9: {  	v4 =	vperm.xlane v3, v0;
	_ =	sdelay $0x1  }
0xea: {  	v4 =	vadd.s32 v1, v4;
	_ =	sdelay $0x1  }
0xeb: {  	v3 =	vperm.xlane v3, v2;
	_ =	sdelay $0x1  }
0xec: {  	s0 =	simm.s32 $0x6800;
	v3 =	vadd.s32 v1, v3  }
0xed: {  	[tilespmem:s0], [sflag:$0x1] =	stream.indirect_vreg.gather [hbm4b:s2+s3], $0x80, v4, vm0, $0xb8;
	[tilespmem:$0x16800] =	vst v63  }
0xee: {  	s0 =	simm.s32 $0x7000  }
0xef: {  	[tilespmem:s0], [sflag:$0x1] =	stream.indirect_vreg.gather [hbm4b:s5+s3], $0x80, v4, vm0, $0xb8;
	[tilespmem:$0x16800] =	vst v63  }
0xf0: {  	s0 =	simm.s32 $0x7800  }
0xf1: {  	[tilespmem:s0], [sflag:$0x1] =	stream.indirect_vreg.gather [hbm4b:s2+s3], $0x80, v3, vm0, $0xb8;
	[tilespmem:$0x16800] =	vst v63  }
0xf2: {  	s0 =	simm.s32 $0x8000  }
0xf3: {  	[tilespmem:s0], [sflag:$0x1] =	stream.indirect_vreg.gather [hbm4b:s5+s3], $0x80, v3, vm0, $0xb8;
	[tilespmem:$0x16800] =	vst v63  }
0xf4: {  	v3 =	vld [tilespmem:s28+$0x90];
	_ =	sdelay $0x4  }
0xf5: {  	v62 =	vshll.u32 v3, $0x2  }
0xf6: {  	v3 =	vand.u32 $0x7, v3;
	v4 =	vand.u32 $0xFFFFFFE0, v62  }
0xf7: {  	v3 =	vor.u32 v3, v4  }
0xf8: {  	v4 =	vperm.xlane v3, v0;
	_ =	sdelay $0x1  }
0xf9: {  	v4 =	vadd.s32 v1, v4;
	_ =	sdelay $0x1  }
0xfa: {  	v3 =	vperm.xlane v3, v2;
	_ =	sdelay $0x1  }
0xfb: {  	s0 =	simm.s32 $0x8800;
	v3 =	vadd.s32 v1, v3  }
0xfc: {  	[tilespmem:s0], [sflag:$0x1] =	stream.indirect_vreg.gather [hbm4b:s2+s3], $0x80, v4, vm0, $0xb8;
	[tilespmem:$0x16800] =	vst v63  }
0xfd: {  	s0 =	simm.s32 $0x9000  }
0xfe: {  	[tilespmem:s0], [sflag:$0x1] =	stream.indirect_vreg.gather [hbm4b:s5+s3], $0x80, v4, vm0, $0xb8;
	[tilespmem:$0x16800] =	vst v63  }
0xff: {  	s0 =	simm.s32 $0x9800  }
0x100: {  	[tilespmem:s0], [sflag:$0x1] =	stream.indirect_vreg.gather [hbm4b:s2+s3], $0x80, v3, vm0, $0xb8;
	[tilespmem:$0x16800] =	vst v63  }
0x101: {  	s0 =	simm.s32 $0xA000  }
0x102: {  	[tilespmem:s0], [sflag:$0x1] =	stream.indirect_vreg.gather [hbm4b:s5+s3], $0x80, v3, vm0, $0xb8;
	[tilespmem:$0x16800] =	vst v63  }
0x103: {  	v3 =	vld [tilespmem:s28+$0xA0];
	_ =	sdelay $0x4  }
0x104: {  	v63 =	vshll.u32 v3, $0x2  }
0x105: {  	v3 =	vand.u32 $0x7, v3;
	v4 =	vand.u32 $0xFFFFFFE0, v63  }
0x106: {  	v3 =	vor.u32 v3, v4  }
0x107: {  	v4 =	vperm.xlane v3, v0;
	_ =	sdelay $0x1  }
0x108: {  	v4 =	vadd.s32 v1, v4;
	_ =	sdelay $0x2  }
0x109: {  	v3 =	vperm.xlane v3, v2  }
0x10a: {  	s0 =	simm.s32 $0xA800  }
0x10b: {  	v3 =	vadd.s32 v1, v3;
	[tilespmem:s0], [sflag:$0x1] =	stream.indirect_vreg.gather [hbm4b:s2+s3], $0x80, v4, vm0, $0xb8;
	[tilespmem:$0x16800] =	vst v63  }
0x10c: {  	s0 =	simm.s32 $0xB000  }
0x10d: {  	[tilespmem:s0], [sflag:$0x1] =	stream.indirect_vreg.gather [hbm4b:s5+s3], $0x80, v4, vm0, $0xb8;
	[tilespmem:$0x16800] =	vst v63  }
.Ltmp5:
0x10e: {  	_ = 	snop;
	(pc) =	sbr.rel .LBB2_4-.Ltmp5, $4  }
0x10f: {  	s0 =	simm.s32 $0xB800  }
0x110: {  	[tilespmem:s0], [sflag:$0x1] =	stream.indirect_vreg.gather [hbm4b:s2+s3], $0x80, v3, vm0, $0xb8;
	[tilespmem:$0x16800] =	vst v63  }
0x111: {  	s0 =	simm.s32 $0xC000  }
0x112: {  	[tilespmem:s0], [sflag:$0x1] =	stream.indirect_vreg.gather [hbm4b:s5+s3], $0x80, v3, vm0, $0xb8;
	[tilespmem:$0x16800] =	vst v63  }
.LBB2_6:
0x113: {  	_ =	sfence.sel $0x180000  }
0x114: {  	[bflag:$0x0] =	sbarrier.arrive $0xFFFF  }
0x115: {  	_ =	strace $0x90000047  }
0x116: {  	s0 =	stileid.u32;
	[bflag:$0x2] =	sbarrier.arrive $0xFFFF  }
0x117: {  	p0 =	sne.s32 s0, $0x0;
	s0 =	rddreg [dreg:$0x3]  }
0x118: {  	s0 =	sadd.s32 @!p0 $0x100000, s0  }
0x119: {  	[sflag:s0] =	ssyncadd.tile.s32 @!p0 $0x1;
	_ =	shalt  }
.Lfunc_end2:
_tile_overlayer_lowered:
.L_overlay_start_2:
0x11a: {  	(tag) =	ssettag $0x2  }
0x11b: {  	s0 =	rddreg [dreg:$0x0];
	s2 =	stileid.u32  }
0x11c: {  	s1 =	rddreg [dreg:$0x1];
	p0 =	sne.s32 s2, $0x0  }
0x11d: {  	s3 =	rddreg [dreg:$0x2];
	[bflag:$0x3] =	sbarrier.arrive $0xFFFF;
	s2 =	simm.s32 @!p0 $0x1C05  }
0x11e: {  	[timem:s3], [sflag:s2] =	dma.local @!p0 [hbm:s0], s1  }
0x11f: {  	s0 =	simm.s32 @!p0 $0x5  }
0x120: {  	_ =	swait.ge @!p0 [sflag:s0], s1  }
0x121: {  	s1 =	ssub.s32 @!p0 $0x0, s1;
	[sflag:s0] =	ssyncset.done @!p0 $0x0  }
0x122: {  	[sflag:s0] =	ssyncadd.s32 @!p0 s1  }
0x123: {  	[bflag:$0x3] =	sbarrier.arrive $0xFFFF  }
0x124: {  	_ =	shalt  }

</sc_bundles>
